<compile_context>
chip_gen: v7x
topology: tpu7x:2x2x1
jax: 0.10.2.dev20260603
libtpu: 0.0.44.dev20260713+nightly
codegen_flags: <defaults>
</compile_context>

<pallas_src>
import functools

import jax
import jax.numpy as jnp
from jax import lax
from jax.experimental import pallas as pl
from jax.experimental.pallas import tpu as pltpu
from jax.experimental.pallas import tpu_sc as plsc

NN = 24
NE = 512
LANES = 16
CM = NN * NN
ACC = LANES * CM

_HIGH = jax.lax.Precision.HIGHEST


def _sc_edge_counts(edge_index, zeros):
    mesh = plsc.VectorSubcoreMesh(core_axis_name="c", subcore_axis_name="s",
                                  num_cores=1, num_subcores=16)

    @functools.partial(
        pl.kernel,
        mesh=mesh,
        compiler_params=pltpu.CompilerParams(needs_layout_passes=False),
        out_type=jax.ShapeDtypeStruct((NN * 128,), jnp.float32),
        scratch_types=[
            pltpu.VMEM((2, NE), jnp.int32),
            pltpu.VMEM((ACC,), jnp.float32),
            pltpu.VMEM((NN * 128,), jnp.float32),
            pltpu.SemaphoreType.DMA,
            pltpu.SemaphoreType.DMA,
        ],
    )
    def k(ei_hbm, z_hbm, out_hbm, ei_v, acc_v, red_v, sem1, sem2):
        @pl.when(lax.axis_index("s") == 0)
        def _():
            cp1 = pltpu.async_copy(ei_hbm, ei_v, sem1)
            cp2 = pltpu.async_copy(z_hbm, acc_v, sem2)
            cp1.wait()
            cp2.wait()
            lane = lax.iota(jnp.int32, LANES) * CM
            ones = jnp.ones((LANES,), jnp.float32)

            def scat_body(j, carry):
                s = ei_v[0, pl.ds(j * LANES, LANES)]
                d = ei_v[1, pl.ds(j * LANES, LANES)]
                plsc.addupdate_scatter(acc_v, [lane + d * NN + s], ones)
                return carry

            lax.fori_loop(0, NE // LANES, scat_body, 0)

            def red_body(d, carry):
                for c0 in (0, 8):
                    v = acc_v[pl.ds(d * NN + c0, LANES)]
                    for l in range(1, LANES):
                        v = v + acc_v[pl.ds(l * CM + d * NN + c0, LANES)]
                    red_v[pl.ds(d * 128 + c0, LANES)] = v
                return carry

            lax.fori_loop(0, NN, red_body, 0)
            pltpu.sync_copy(red_v, out_hbm)

    return k(edge_index, zeros)


def _dense_body(cp_ref, x_ref,
                w1, b1, w2, b2, w3, b3, w4, b4, w5, b5, w6, b6, w7, b7,
                fc1_ref, fb1_ref, fc2_ref, fb2_ref, o_ref):
    C = cp_ref[:][:, :NN]
    deg = C.sum(axis=1, keepdims=True) + 1.0
    u = 1.0 / jnp.sqrt(deg)
    r = lax.broadcasted_iota(jnp.int32, (NN, NN), 0)
    c = lax.broadcasted_iota(jnp.int32, (NN, NN), 1)
    P = C + (r == c).astype(jnp.float32)

    h = x_ref[:]
    for w_ref, b_ref in ((w1, b1), (w2, b2), (w3, b3), (w4, b4),
                         (w5, b5), (w6, b6), (w7, b7)):
        g = jnp.dot(h, w_ref[:], precision=_HIGH,
                    preferred_element_type=jnp.float32)
        g = g * u
        m = jnp.dot(P, g, precision=_HIGH,
                    preferred_element_type=jnp.float32)
        h = jnp.maximum(m * u + b_ref[:].reshape(1, -1), 0.0)

    t = h[:, :, None] * fc1_ref[:].reshape(NN, 32, 128)
    z = t.sum(axis=0).sum(axis=0, keepdims=True) \
        + fb1_ref[:].reshape(1, -1)
    z2 = jnp.dot(z, fc2_ref[:], precision=_HIGH,
                 preferred_element_type=jnp.float32) \
        + fb2_ref[:].reshape(1, -1)
    mx = jnp.max(z2, axis=1, keepdims=True)
    e = jnp.exp(z2 - mx)
    o_ref[:] = (z2 - mx) - jnp.log(jnp.sum(e, axis=1, keepdims=True))


def kernel(x, edge_index, W1, b1, W2, b2, W3, b3, W4, b4, W5, b5, W6, b6,
           W7, b7, fcW1, fcb1, fcW2, fcb2):
    cp = _sc_edge_counts(edge_index.astype(jnp.int32),
                         jnp.zeros((ACC,), jnp.float32)).reshape(NN, 128)
    args = [cp, x,
            W1, b1, W2, b2, W3, b3, W4, b4, W5, b5, W6, b6, W7, b7,
            fcW1, fcb1, fcW2, fcb2]
    return pl.pallas_call(
        _dense_body,
        out_shape=jax.ShapeDtypeStruct((1, 2), jnp.float32),
    )(*args)

# --- scband reference (transcript-rebuilt; emitter-appended) ---
"""Pipeline reference for scband-gcn-4-4-8-8-16-16-32-72782515798130 (READ-ONLY COPY).

The authoritative reference and input builder live on the scoring server;
editing this copy changes nothing except your own understanding.
"""

import jax, jax.numpy as jnp
import numpy as np

NUM_NODES = 24


def gcn_conv(x, edge_index, W, b, num_nodes):
    src = edge_index[0]
    dst = edge_index[1]
    loop = jnp.arange(num_nodes, dtype=src.dtype)
    src = jnp.concatenate([src, loop])
    dst = jnp.concatenate([dst, loop])
    deg = jnp.zeros((num_nodes,), dtype=x.dtype).at[dst].add(1.0)
    deg_inv_sqrt = jnp.where(deg > 0, 1.0 / jnp.sqrt(deg), 0.0)
    norm = deg_inv_sqrt[src] * deg_inv_sqrt[dst]
    h = x @ W
    msg = h[src] * norm[:, None]
    out = jnp.zeros((num_nodes, h.shape[1]), dtype=x.dtype).at[dst].add(msg)
    return out + b


def setup_inputs(seed: int = 0) -> dict:
    key = jax.random.key(seed)
    ks = jax.random.split(key, 32)
    x = jax.random.normal(ks[0], (NUM_NODES, 128), dtype=jnp.float32)
    edge_index = jax.random.randint(ks[1], (2, 512), 0, NUM_NODES, dtype=jnp.int64) if jax.config.jax_enable_x64 else jax.random.randint(ks[1], (2, 512), 0, NUM_NODES).astype(jnp.int32)
    dims = [(128, 4), (4, 4), (4, 8), (8, 8), (8, 16), (16, 16), (16, 32)]
    inp = {"x": x, "edge_index": edge_index}
    for i, (din, dout) in enumerate(dims):
        inp[f"W{i+1}"] = jax.random.normal(ks[2 + 2 * i], (din, dout), dtype=jnp.float32) * (1.0 / np.sqrt(din))
        inp[f"b{i+1}"] = jnp.zeros((dout,), dtype=jnp.float32)
    inp["fcW1"] = jax.random.normal(ks[20], (768, 128), dtype=jnp.float32) * (1.0 / np.sqrt(768))
    inp["fcb1"] = jnp.zeros((128,), dtype=jnp.float32)
    inp["fcW2"] = jax.random.normal(ks[21], (128, 2), dtype=jnp.float32) * (1.0 / np.sqrt(128))
    inp["fcb2"] = jnp.zeros((2,), dtype=jnp.float32)
    return inp


def reference(x, edge_index, W1, b1, W2, b2, W3, b3, W4, b4, W5, b5, W6, b6, W7, b7, fcW1, fcb1, fcW2, fcb2):
    h = jax.nn.relu(gcn_conv(x, edge_index, W1, b1, NUM_NODES))
    h = jax.nn.relu(gcn_conv(h, edge_index, W2, b2, NUM_NODES))
    h = jax.nn.relu(gcn_conv(h, edge_index, W3, b3, NUM_NODES))
    h = jax.nn.relu(gcn_conv(h, edge_index, W4, b4, NUM_NODES))
    h = jax.nn.relu(gcn_conv(h, edge_index, W5, b5, NUM_NODES))
    h = jax.nn.relu(gcn_conv(h, edge_index, W6, b6, NUM_NODES))
    h = jax.nn.relu(gcn_conv(h, edge_index, W7, b7, NUM_NODES))
    flat = h.reshape(-1)
    z = flat @ fcW1 + fcb1
    z = z @ fcW2 + fcb2
    return jax.nn.log_softmax(z.reshape(1, 2), axis=1)

if __name__ == "__main__":
    import jax
    _d = setup_inputs()
    print(jax.jit(kernel)(*tuple(_d.values())))

</pallas_src>

<mosaic_0001>
#map = affine_map<(d0, d1) -> (0, 0)>
#map1 = affine_map<(d0, d1) -> (0)>
module attributes {stable_mosaic.version = 14 : i64} {
  func.func @k(%arg0: i32, %arg1: i32, %arg2: memref<2x512xi32, #tpu.memory_space<hbm>>, %arg3: memref<9216xf32, #tpu.memory_space<hbm>>, %arg4: memref<3072xf32, #tpu.memory_space<hbm>>, %arg5: memref<2x512xi32, #tpu.memory_space<vmem>>, %arg6: memref<9216xf32, #tpu.memory_space<vmem>>, %arg7: memref<3072xf32, #tpu.memory_space<vmem>>, %arg8: memref<!tpu.dma_semaphore, #tpu.memory_space<semaphore_mem>>, %arg9: memref<!tpu.dma_semaphore, #tpu.memory_space<semaphore_mem>>) attributes {dimension_semantics = [#tpu.dimension_semantics<core_parallel>, #tpu.dimension_semantics<subcore_parallel>], iteration_bounds = array<i64: 1, 16>, scalar_prefetch = 0 : i64, scratch_operands = 5 : i64, tpu.core_type = #tpu.core_type<sc_vector_subcore>, window_params = [{transform_indices = #map}, {transform_indices = #map1}, {transform_indices = #map1}]} {
    %eq3A = arith.constant 0 : i32
    %eq3A_0 = arith.cmpi eq, %arg1, %eq3A : i32
    %convert_element_type3A = arith.extui %eq3A_0 : i1 to i32
    %cond3A = arith.constant 0 : i32
    %cond3A_1 = arith.cmpi ne, %convert_element_type3A, %cond3A : i32
    scf.if %cond3A_1 {
      tpu.enqueue_dma source(%arg2 : memref<2x512xi32, #tpu.memory_space<hbm>>) target(%arg5 : memref<2x512xi32, #tpu.memory_space<vmem>>) target_semaphore(%arg8 : memref<!tpu.dma_semaphore, #tpu.memory_space<semaphore_mem>>)
      tpu.enqueue_dma source(%arg3 : memref<9216xf32, #tpu.memory_space<hbm>>) target(%arg6 : memref<9216xf32, #tpu.memory_space<vmem>>) target_semaphore(%arg9 : memref<!tpu.dma_semaphore, #tpu.memory_space<semaphore_mem>>)
      tpu.wait_dma2 semaphore(%arg8 : memref<!tpu.dma_semaphore, #tpu.memory_space<semaphore_mem>>) src(%arg2 : memref<2x512xi32, #tpu.memory_space<hbm>>) dst(%arg5 : memref<2x512xi32, #tpu.memory_space<vmem>>)
      tpu.wait_dma2 semaphore(%arg9 : memref<!tpu.dma_semaphore, #tpu.memory_space<semaphore_mem>>) src(%arg3 : memref<9216xf32, #tpu.memory_space<hbm>>) dst(%arg6 : memref<9216xf32, #tpu.memory_space<vmem>>)
      %iota3A = tpu.iota {dimensions = array<i32: 0>} : vector<16xi32>
      %mul3A = arith.constant 576 : i32
      %mul3A_2 = vector.broadcast %mul3A : i32 to vector<16xi32>
      %mul3A_3 = arith.muli %iota3A, %mul3A_2 : vector<16xi32>
      %broadcast_in_dim3A = arith.constant 1.000000e+00 : f32
      %broadcast_in_dim3A_4 = vector.broadcast %broadcast_in_dim3A : f32 to vector<16xf32>
      %scan3A = arith.constant 0 : i32
      %scan3A_5 = arith.constant 0 : i32
      %scan3A_6 = arith.constant 32 : i32
      %scan3A_7 = arith.addi %scan3A_5, %scan3A_6 : i32
      %scan3A_8 = arith.constant 1 : i32
      scf.for %scan3A_16 = %scan3A_5 to %scan3A_7 step %scan3A_8  : i32 {
        %mul3A_17 = arith.constant 16 : i32
        %mul3A_18 = arith.muli %scan3A_16, %mul3A_17 : i32
        %get3A = arith.constant 0 : i32
        %get3A_19 = arith.index_cast %get3A : i32 to index
        %get3A_20 = arith.index_cast %mul3A_18 : i32 to index
        %get3A_21 = tpu.vector_load %arg5[%get3A_19, %get3A_20] {strides = array<i32>} : memref<2x512xi32, #tpu.memory_space<vmem>>, vector<16xi32>,
        %mul3A_22 = arith.constant 16 : i32
        %mul3A_23 = arith.muli %scan3A_16, %mul3A_22 : i32
        %get3A_24 = arith.constant 1 : i32
        %get3A_25 = arith.index_cast %get3A_24 : i32 to index
        %get3A_26 = arith.index_cast %mul3A_23 : i32 to index
        %get3A_27 = tpu.vector_load %arg5[%get3A_25, %get3A_26] {strides = array<i32>} : memref<2x512xi32, #tpu.memory_space<vmem>>, vector<16xi32>,
        %mul3A_28 = arith.constant 24 : i32
        %mul3A_29 = vector.broadcast %mul3A_28 : i32 to vector<16xi32>
        %mul3A_30 = arith.muli %get3A_27, %mul3A_29 : vector<16xi32>
        %add3A = arith.addi %mul3A_3, %mul3A_30 : vector<16xi32>
        %add3A_31 = arith.addi %add3A, %get3A_21 : vector<16xi32>
        tpu.vector_store_idx %arg6[%add3A_31], %broadcast_in_dim3A_4 {add = true} : memref<9216xf32, #tpu.memory_space<vmem>>[vector<16xi32>], vector<16xf32>,
      }
      %scan3A_9 = arith.constant 32 : i32
      %scan3A_10 = arith.constant 0 : i32
      %scan3A_11 = arith.constant 0 : i32
      %scan3A_12 = arith.constant 24 : i32
      %scan3A_13 = arith.addi %scan3A_11, %scan3A_12 : i32
      %scan3A_14 = arith.constant 1 : i32
      scf.for %scan3A_16 = %scan3A_11 to %scan3A_13 step %scan3A_14  : i32 {
        %mul3A_17 = arith.constant 24 : i32
        %mul3A_18 = arith.muli %scan3A_16, %mul3A_17 : i32
        %add3A = arith.constant 0 : i32
        %add3A_19 = arith.addi %mul3A_18, %add3A : i32
        %get3A = arith.index_cast %add3A_19 : i32 to index
        %get3A_20 = tpu.vector_load %arg6[%get3A] {strides = array<i32>} : memref<9216xf32, #tpu.memory_space<vmem>>, vector<16xf32>,
        %mul3A_21 = arith.constant 24 : i32
        %mul3A_22 = arith.muli %scan3A_16, %mul3A_21 : i32
        %add3A_23 = arith.constant 576 : i32
        %add3A_24 = arith.addi %add3A_23, %mul3A_22 : i32
        %add3A_25 = arith.constant 0 : i32
        %add3A_26 = arith.addi %add3A_24, %add3A_25 : i32
        %get3A_27 = arith.index_cast %add3A_26 : i32 to index
        %get3A_28 = tpu.vector_load %arg6[%get3A_27] {strides = array<i32>} : memref<9216xf32, #tpu.memory_space<vmem>>, vector<16xf32>,
        %add3A_29 = arith.addf %get3A_20, %get3A_28 : vector<16xf32>
        %mul3A_30 = arith.constant 24 : i32
        %mul3A_31 = arith.muli %scan3A_16, %mul3A_30 : i32
        %add3A_32 = arith.constant 1152 : i32
        %add3A_33 = arith.addi %add3A_32, %mul3A_31 : i32
        %add3A_34 = arith.constant 0 : i32
        %add3A_35 = arith.addi %add3A_33, %add3A_34 : i32
        %get3A_36 = arith.index_cast %add3A_35 : i32 to index
        %get3A_37 = tpu.vector_load %arg6[%get3A_36] {strides = array<i32>} : memref<9216xf32, #tpu.memory_space<vmem>>, vector<16xf32>,
        %add3A_38 = arith.addf %add3A_29, %get3A_37 : vector<16xf32>
        %mul3A_39 = arith.constant 24 : i32
        %mul3A_40 = arith.muli %scan3A_16, %mul3A_39 : i32
        %add3A_41 = arith.constant 1728 : i32
        %add3A_42 = arith.addi %add3A_41, %mul3A_40 : i32
        %add3A_43 = arith.constant 0 : i32
        %add3A_44 = arith.addi %add3A_42, %add3A_43 : i32
        %get3A_45 = arith.index_cast %add3A_44 : i32 to index
        %get3A_46 = tpu.vector_load %arg6[%get3A_45] {strides = array<i32>} : memref<9216xf32, #tpu.memory_space<vmem>>, vector<16xf32>,
        %add3A_47 = arith.addf %add3A_38, %get3A_46 : vector<16xf32>
        %mul3A_48 = arith.constant 24 : i32
        %mul3A_49 = arith.muli %scan3A_16, %mul3A_48 : i32
        %add3A_50 = arith.constant 2304 : i32
        %add3A_51 = arith.addi %add3A_50, %mul3A_49 : i32
        %add3A_52 = arith.constant 0 : i32
        %add3A_53 = arith.addi %add3A_51, %add3A_52 : i32
        %get3A_54 = arith.index_cast %add3A_53 : i32 to index
        %get3A_55 = tpu.vector_load %arg6[%get3A_54] {strides = array<i32>} : memref<9216xf32, #tpu.memory_space<vmem>>, vector<16xf32>,
        %add3A_56 = arith.addf %add3A_47, %get3A_55 : vector<16xf32>
        %mul3A_57 = arith.constant 24 : i32
        %mul3A_58 = arith.muli %scan3A_16, %mul3A_57 : i32
        %add3A_59 = arith.constant 2880 : i32
        %add3A_60 = arith.addi %add3A_59, %mul3A_58 : i32
        %add3A_61 = arith.constant 0 : i32
        %add3A_62 = arith.addi %add3A_60, %add3A_61 : i32
        %get3A_63 = arith.index_cast %add3A_62 : i32 to index
        %get3A_64 = tpu.vector_load %arg6[%get3A_63] {strides = array<i32>} : memref<9216xf32, #tpu.memory_space<vmem>>, vector<16xf32>,
        %add3A_65 = arith.addf %add3A_56, %get3A_64 : vector<16xf32>
        %mul3A_66 = arith.constant 24 : i32
        %mul3A_67 = arith.muli %scan3A_16, %mul3A_66 : i32
        %add3A_68 = arith.constant 3456 : i32
        %add3A_69 = arith.addi %add3A_68, %mul3A_67 : i32
        %add3A_70 = arith.constant 0 : i32
        %add3A_71 = arith.addi %add3A_69, %add3A_70 : i32
        %get3A_72 = arith.index_cast %add3A_71 : i32 to index
        %get3A_73 = tpu.vector_load %arg6[%get3A_72] {strides = array<i32>} : memref<9216xf32, #tpu.memory_space<vmem>>, vector<16xf32>,
        %add3A_74 = arith.addf %add3A_65, %get3A_73 : vector<16xf32>
        %mul3A_75 = arith.constant 24 : i32
        %mul3A_76 = arith.muli %scan3A_16, %mul3A_75 : i32
        %add3A_77 = arith.constant 4032 : i32
        %add3A_78 = arith.addi %add3A_77, %mul3A_76 : i32
        %add3A_79 = arith.constant 0 : i32
        %add3A_80 = arith.addi %add3A_78, %add3A_79 : i32
        %get3A_81 = arith.index_cast %add3A_80 : i32 to index
        %get3A_82 = tpu.vector_load %arg6[%get3A_81] {strides = array<i32>} : memref<9216xf32, #tpu.memory_space<vmem>>, vector<16xf32>,
        %add3A_83 = arith.addf %add3A_74, %get3A_82 : vector<16xf32>
        %mul3A_84 = arith.constant 24 : i32
        %mul3A_85 = arith.muli %scan3A_16, %mul3A_84 : i32
        %add3A_86 = arith.constant 4608 : i32
        %add3A_87 = arith.addi %add3A_86, %mul3A_85 : i32
        %add3A_88 = arith.constant 0 : i32
        %add3A_89 = arith.addi %add3A_87, %add3A_88 : i32
        %get3A_90 = arith.index_cast %add3A_89 : i32 to index
        %get3A_91 = tpu.vector_load %arg6[%get3A_90] {strides = array<i32>} : memref<9216xf32, #tpu.memory_space<vmem>>, vector<16xf32>,
        %add3A_92 = arith.addf %add3A_83, %get3A_91 : vector<16xf32>
        %mul3A_93 = arith.constant 24 : i32
        %mul3A_94 = arith.muli %scan3A_16, %mul3A_93 : i32
        %add3A_95 = arith.constant 5184 : i32
        %add3A_96 = arith.addi %add3A_95, %mul3A_94 : i32
        %add3A_97 = arith.constant 0 : i32
        %add3A_98 = arith.addi %add3A_96, %add3A_97 : i32
        %get3A_99 = arith.index_cast %add3A_98 : i32 to index
        %get3A_100 = tpu.vector_load %arg6[%get3A_99] {strides = array<i32>} : memref<9216xf32, #tpu.memory_space<vmem>>, vector<16xf32>,
        %add3A_101 = arith.addf %add3A_92, %get3A_100 : vector<16xf32>
        %mul3A_102 = arith.constant 24 : i32
        %mul3A_103 = arith.muli %scan3A_16, %mul3A_102 : i32
        %add3A_104 = arith.constant 5760 : i32
        %add3A_105 = arith.addi %add3A_104, %mul3A_103 : i32
        %add3A_106 = arith.constant 0 : i32
        %add3A_107 = arith.addi %add3A_105, %add3A_106 : i32
        %get3A_108 = arith.index_cast %add3A_107 : i32 to index
        %get3A_109 = tpu.vector_load %arg6[%get3A_108] {strides = array<i32>} : memref<9216xf32, #tpu.memory_space<vmem>>, vector<16xf32>,
        %add3A_110 = arith.addf %add3A_101, %get3A_109 : vector<16xf32>
        %mul3A_111 = arith.constant 24 : i32
        %mul3A_112 = arith.muli %scan3A_16, %mul3A_111 : i32
        %add3A_113 = arith.constant 6336 : i32
        %add3A_114 = arith.addi %add3A_113, %mul3A_112 : i32
        %add3A_115 = arith.constant 0 : i32
        %add3A_116 = arith.addi %add3A_114, %add3A_115 : i32
        %get3A_117 = arith.index_cast %add3A_116 : i32 to index
        %get3A_118 = tpu.vector_load %arg6[%get3A_117] {strides = array<i32>} : memref<9216xf32, #tpu.memory_space<vmem>>, vector<16xf32>,
        %add3A_119 = arith.addf %add3A_110, %get3A_118 : vector<16xf32>
        %mul3A_120 = arith.constant 24 : i32
        %mul3A_121 = arith.muli %scan3A_16, %mul3A_120 : i32
        %add3A_122 = arith.constant 6912 : i32
        %add3A_123 = arith.addi %add3A_122, %mul3A_121 : i32
        %add3A_124 = arith.constant 0 : i32
        %add3A_125 = arith.addi %add3A_123, %add3A_124 : i32
        %get3A_126 = arith.index_cast %add3A_125 : i32 to index
        %get3A_127 = tpu.vector_load %arg6[%get3A_126] {strides = array<i32>} : memref<9216xf32, #tpu.memory_space<vmem>>, vector<16xf32>,
        %add3A_128 = arith.addf %add3A_119, %get3A_127 : vector<16xf32>
        %mul3A_129 = arith.constant 24 : i32
        %mul3A_130 = arith.muli %scan3A_16, %mul3A_129 : i32
        %add3A_131 = arith.constant 7488 : i32
        %add3A_132 = arith.addi %add3A_131, %mul3A_130 : i32
        %add3A_133 = arith.constant 0 : i32
        %add3A_134 = arith.addi %add3A_132, %add3A_133 : i32
        %get3A_135 = arith.index_cast %add3A_134 : i32 to index
        %get3A_136 = tpu.vector_load %arg6[%get3A_135] {strides = array<i32>} : memref<9216xf32, #tpu.memory_space<vmem>>, vector<16xf32>,
        %add3A_137 = arith.addf %add3A_128, %get3A_136 : vector<16xf32>
        %mul3A_138 = arith.constant 24 : i32
        %mul3A_139 = arith.muli %scan3A_16, %mul3A_138 : i32
        %add3A_140 = arith.constant 8064 : i32
        %add3A_141 = arith.addi %add3A_140, %mul3A_139 : i32
        %add3A_142 = arith.constant 0 : i32
        %add3A_143 = arith.addi %add3A_141, %add3A_142 : i32
        %get3A_144 = arith.index_cast %add3A_143 : i32 to index
        %get3A_145 = tpu.vector_load %arg6[%get3A_144] {strides = array<i32>} : memref<9216xf32, #tpu.memory_space<vmem>>, vector<16xf32>,
        %add3A_146 = arith.addf %add3A_137, %get3A_145 : vector<16xf32>
        %mul3A_147 = arith.constant 24 : i32
        %mul3A_148 = arith.muli %scan3A_16, %mul3A_147 : i32
        %add3A_149 = arith.constant 8640 : i32
        %add3A_150 = arith.addi %add3A_149, %mul3A_148 : i32
        %add3A_151 = arith.constant 0 : i32
        %add3A_152 = arith.addi %add3A_150, %add3A_151 : i32
        %get3A_153 = arith.index_cast %add3A_152 : i32 to index
        %get3A_154 = tpu.vector_load %arg6[%get3A_153] {strides = array<i32>} : memref<9216xf32, #tpu.memory_space<vmem>>, vector<16xf32>,
        %add3A_155 = arith.addf %add3A_146, %get3A_154 : vector<16xf32>
        %mul3A_156 = arith.constant 128 : i32
        %mul3A_157 = arith.muli %scan3A_16, %mul3A_156 : i32
        %add3A_158 = arith.constant 0 : i32
        %add3A_159 = arith.addi %mul3A_157, %add3A_158 : i32
        %swap3A = arith.index_cast %add3A_159 : i32 to index
        %swap3A_160 = tpu.vector_load %arg7[%swap3A] {strides = array<i32>} : memref<3072xf32, #tpu.memory_space<vmem>>, vector<16xf32>,
        tpu.vector_store %arg7[%swap3A], %add3A_155 {strides = array<i32>} : memref<3072xf32, #tpu.memory_space<vmem>>, vector<16xf32>,
        %mul3A_161 = arith.constant 24 : i32
        %mul3A_162 = arith.muli %scan3A_16, %mul3A_161 : i32
        %add3A_163 = arith.constant 8 : i32
        %add3A_164 = arith.addi %mul3A_162, %add3A_163 : i32
        %get3A_165 = arith.index_cast %add3A_164 : i32 to index
        %get3A_166 = tpu.vector_load %arg6[%get3A_165] {strides = array<i32>} : memref<9216xf32, #tpu.memory_space<vmem>>, vector<16xf32>,
        %mul3A_167 = arith.constant 24 : i32
        %mul3A_168 = arith.muli %scan3A_16, %mul3A_167 : i32
        %add3A_169 = arith.constant 576 : i32
        %add3A_170 = arith.addi %add3A_169, %mul3A_168 : i32
        %add3A_171 = arith.constant 8 : i32
        %add3A_172 = arith.addi %add3A_170, %add3A_171 : i32
        %get3A_173 = arith.index_cast %add3A_172 : i32 to index
        %get3A_174 = tpu.vector_load %arg6[%get3A_173] {strides = array<i32>} : memref<9216xf32, #tpu.memory_space<vmem>>, vector<16xf32>,
        %add3A_175 = arith.addf %get3A_166, %get3A_174 : vector<16xf32>
        %mul3A_176 = arith.constant 24 : i32
        %mul3A_177 = arith.muli %scan3A_16, %mul3A_176 : i32
        %add3A_178 = arith.constant 1152 : i32
        %add3A_179 = arith.addi %add3A_178, %mul3A_177 : i32
        %add3A_180 = arith.constant 8 : i32
        %add3A_181 = arith.addi %add3A_179, %add3A_180 : i32
        %get3A_182 = arith.index_cast %add3A_181 : i32 to index
        %get3A_183 = tpu.vector_load %arg6[%get3A_182] {strides = array<i32>} : memref<9216xf32, #tpu.memory_space<vmem>>, vector<16xf32>,
        %add3A_184 = arith.addf %add3A_175, %get3A_183 : vector<16xf32>
        %mul3A_185 = arith.constant 24 : i32
        %mul3A_186 = arith.muli %scan3A_16, %mul3A_185 : i32
        %add3A_187 = arith.constant 1728 : i32
        %add3A_188 = arith.addi %add3A_187, %mul3A_186 : i32
        %add3A_189 = arith.constant 8 : i32
        %add3A_190 = arith.addi %add3A_188, %add3A_189 : i32
        %get3A_191 = arith.index_cast %add3A_190 : i32 to index
        %get3A_192 = tpu.vector_load %arg6[%get3A_191] {strides = array<i32>} : memref<9216xf32, #tpu.memory_space<vmem>>, vector<16xf32>,
        %add3A_193 = arith.addf %add3A_184, %get3A_192 : vector<16xf32>
        %mul3A_194 = arith.constant 24 : i32
        %mul3A_195 = arith.muli %scan3A_16, %mul3A_194 : i32
        %add3A_196 = arith.constant 2304 : i32
        %add3A_197 = arith.addi %add3A_196, %mul3A_195 : i32
        %add3A_198 = arith.constant 8 : i32
        %add3A_199 = arith.addi %add3A_197, %add3A_198 : i32
        %get3A_200 = arith.index_cast %add3A_199 : i32 to index
        %get3A_201 = tpu.vector_load %arg6[%get3A_200] {strides = array<i32>} : memref<9216xf32, #tpu.memory_space<vmem>>, vector<16xf32>,
        %add3A_202 = arith.addf %add3A_193, %get3A_201 : vector<16xf32>
        %mul3A_203 = arith.constant 24 : i32
        %mul3A_204 = arith.muli %scan3A_16, %mul3A_203 : i32
        %add3A_205 = arith.constant 2880 : i32
        %add3A_206 = arith.addi %add3A_205, %mul3A_204 : i32
        %add3A_207 = arith.constant 8 : i32
        %add3A_208 = arith.addi %add3A_206, %add3A_207 : i32
        %get3A_209 = arith.index_cast %add3A_208 : i32 to index
        %get3A_210 = tpu.vector_load %arg6[%get3A_209] {strides = array<i32>} : memref<9216xf32, #tpu.memory_space<vmem>>, vector<16xf32>,
        %add3A_211 = arith.addf %add3A_202, %get3A_210 : vector<16xf32>
        %mul3A_212 = arith.constant 24 : i32
        %mul3A_213 = arith.muli %scan3A_16, %mul3A_212 : i32
        %add3A_214 = arith.constant 3456 : i32
        %add3A_215 = arith.addi %add3A_214, %mul3A_213 : i32
        %add3A_216 = arith.constant 8 : i32
        %add3A_217 = arith.addi %add3A_215, %add3A_216 : i32
        %get3A_218 = arith.index_cast %add3A_217 : i32 to index
        %get3A_219 = tpu.vector_load %arg6[%get3A_218] {strides = array<i32>} : memref<9216xf32, #tpu.memory_space<vmem>>, vector<16xf32>,
        %add3A_220 = arith.addf %add3A_211, %get3A_219 : vector<16xf32>
        %mul3A_221 = arith.constant 24 : i32
        %mul3A_222 = arith.muli %scan3A_16, %mul3A_221 : i32
        %add3A_223 = arith.constant 4032 : i32
        %add3A_224 = arith.addi %add3A_223, %mul3A_222 : i32
        %add3A_225 = arith.constant 8 : i32
        %add3A_226 = arith.addi %add3A_224, %add3A_225 : i32
        %get3A_227 = arith.index_cast %add3A_226 : i32 to index
        %get3A_228 = tpu.vector_load %arg6[%get3A_227] {strides = array<i32>} : memref<9216xf32, #tpu.memory_space<vmem>>, vector<16xf32>,
        %add3A_229 = arith.addf %add3A_220, %get3A_228 : vector<16xf32>
        %mul3A_230 = arith.constant 24 : i32
        %mul3A_231 = arith.muli %scan3A_16, %mul3A_230 : i32
        %add3A_232 = arith.constant 4608 : i32
        %add3A_233 = arith.addi %add3A_232, %mul3A_231 : i32
        %add3A_234 = arith.constant 8 : i32
        %add3A_235 = arith.addi %add3A_233, %add3A_234 : i32
        %get3A_236 = arith.index_cast %add3A_235 : i32 to index
        %get3A_237 = tpu.vector_load %arg6[%get3A_236] {strides = array<i32>} : memref<9216xf32, #tpu.memory_space<vmem>>, vector<16xf32>,
        %add3A_238 = arith.addf %add3A_229, %get3A_237 : vector<16xf32>
        %mul3A_239 = arith.constant 24 : i32
        %mul3A_240 = arith.muli %scan3A_16, %mul3A_239 : i32
        %add3A_241 = arith.constant 5184 : i32
        %add3A_242 = arith.addi %add3A_241, %mul3A_240 : i32
        %add3A_243 = arith.constant 8 : i32
        %add3A_244 = arith.addi %add3A_242, %add3A_243 : i32
        %get3A_245 = arith.index_cast %add3A_244 : i32 to index
        %get3A_246 = tpu.vector_load %arg6[%get3A_245] {strides = array<i32>} : memref<9216xf32, #tpu.memory_space<vmem>>, vector<16xf32>,
        %add3A_247 = arith.addf %add3A_238, %get3A_246 : vector<16xf32>
        %mul3A_248 = arith.constant 24 : i32
        %mul3A_249 = arith.muli %scan3A_16, %mul3A_248 : i32
        %add3A_250 = arith.constant 5760 : i32
        %add3A_251 = arith.addi %add3A_250, %mul3A_249 : i32
        %add3A_252 = arith.constant 8 : i32
        %add3A_253 = arith.addi %add3A_251, %add3A_252 : i32
        %get3A_254 = arith.index_cast %add3A_253 : i32 to index
        %get3A_255 = tpu.vector_load %arg6[%get3A_254] {strides = array<i32>} : memref<9216xf32, #tpu.memory_space<vmem>>, vector<16xf32>,
        %add3A_256 = arith.addf %add3A_247, %get3A_255 : vector<16xf32>
        %mul3A_257 = arith.constant 24 : i32
        %mul3A_258 = arith.muli %scan3A_16, %mul3A_257 : i32
        %add3A_259 = arith.constant 6336 : i32
        %add3A_260 = arith.addi %add3A_259, %mul3A_258 : i32
        %add3A_261 = arith.constant 8 : i32
        %add3A_262 = arith.addi %add3A_260, %add3A_261 : i32
        %get3A_263 = arith.index_cast %add3A_262 : i32 to index
        %get3A_264 = tpu.vector_load %arg6[%get3A_263] {strides = array<i32>} : memref<9216xf32, #tpu.memory_space<vmem>>, vector<16xf32>,
        %add3A_265 = arith.addf %add3A_256, %get3A_264 : vector<16xf32>
        %mul3A_266 = arith.constant 24 : i32
        %mul3A_267 = arith.muli %scan3A_16, %mul3A_266 : i32
        %add3A_268 = arith.constant 6912 : i32
        %add3A_269 = arith.addi %add3A_268, %mul3A_267 : i32
        %add3A_270 = arith.constant 8 : i32
        %add3A_271 = arith.addi %add3A_269, %add3A_270 : i32
        %get3A_272 = arith.index_cast %add3A_271 : i32 to index
        %get3A_273 = tpu.vector_load %arg6[%get3A_272] {strides = array<i32>} : memref<9216xf32, #tpu.memory_space<vmem>>, vector<16xf32>,
        %add3A_274 = arith.addf %add3A_265, %get3A_273 : vector<16xf32>
        %mul3A_275 = arith.constant 24 : i32
        %mul3A_276 = arith.muli %scan3A_16, %mul3A_275 : i32
        %add3A_277 = arith.constant 7488 : i32
        %add3A_278 = arith.addi %add3A_277, %mul3A_276 : i32
        %add3A_279 = arith.constant 8 : i32
        %add3A_280 = arith.addi %add3A_278, %add3A_279 : i32
        %get3A_281 = arith.index_cast %add3A_280 : i32 to index
        %get3A_282 = tpu.vector_load %arg6[%get3A_281] {strides = array<i32>} : memref<9216xf32, #tpu.memory_space<vmem>>, vector<16xf32>,
        %add3A_283 = arith.addf %add3A_274, %get3A_282 : vector<16xf32>
        %mul3A_284 = arith.constant 24 : i32
        %mul3A_285 = arith.muli %scan3A_16, %mul3A_284 : i32
        %add3A_286 = arith.constant 8064 : i32
        %add3A_287 = arith.addi %add3A_286, %mul3A_285 : i32
        %add3A_288 = arith.constant 8 : i32
        %add3A_289 = arith.addi %add3A_287, %add3A_288 : i32
        %get3A_290 = arith.index_cast %add3A_289 : i32 to index
        %get3A_291 = tpu.vector_load %arg6[%get3A_290] {strides = array<i32>} : memref<9216xf32, #tpu.memory_space<vmem>>, vector<16xf32>,
        %add3A_292 = arith.addf %add3A_283, %get3A_291 : vector<16xf32>
        %mul3A_293 = arith.constant 24 : i32
        %mul3A_294 = arith.muli %scan3A_16, %mul3A_293 : i32
        %add3A_295 = arith.constant 8640 : i32
        %add3A_296 = arith.addi %add3A_295, %mul3A_294 : i32
        %add3A_297 = arith.constant 8 : i32
        %add3A_298 = arith.addi %add3A_296, %add3A_297 : i32
        %get3A_299 = arith.index_cast %add3A_298 : i32 to index
        %get3A_300 = tpu.vector_load %arg6[%get3A_299] {strides = array<i32>} : memref<9216xf32, #tpu.memory_space<vmem>>, vector<16xf32>,
        %add3A_301 = arith.addf %add3A_292, %get3A_300 : vector<16xf32>
        %mul3A_302 = arith.constant 128 : i32
        %mul3A_303 = arith.muli %scan3A_16, %mul3A_302 : i32
        %add3A_304 = arith.constant 8 : i32
        %add3A_305 = arith.addi %mul3A_303, %add3A_304 : i32
        %swap3A_306 = arith.index_cast %add3A_305 : i32 to index
        %swap3A_307 = tpu.vector_load %arg7[%swap3A_306] {strides = array<i32>} : memref<3072xf32, #tpu.memory_space<vmem>>, vector<16xf32>,
        tpu.vector_store %arg7[%swap3A_306], %add3A_301 {strides = array<i32>} : memref<3072xf32, #tpu.memory_space<vmem>>, vector<16xf32>,
      }
      %scan3A_15 = arith.constant 24 : i32
      "tpu.region"() ({
        %run_scoped3A = tpu.sem_alloc : memref<!tpu.dma_semaphore, #tpu.memory_space<semaphore_mem>>
        tpu.enqueue_dma source(%arg7 : memref<3072xf32, #tpu.memory_space<vmem>>) target(%arg4 : memref<3072xf32, #tpu.memory_space<hbm>>) target_semaphore(%run_scoped3A : memref<!tpu.dma_semaphore, #tpu.memory_space<semaphore_mem>>)
        tpu.wait_dma2 semaphore(%run_scoped3A : memref<!tpu.dma_semaphore, #tpu.memory_space<semaphore_mem>>) src(%arg7 : memref<3072xf32, #tpu.memory_space<vmem>>) dst(%arg4 : memref<3072xf32, #tpu.memory_space<hbm>>)
        tpu.yield
      }) : () -> ()
    } else {
    }
    return
  }
}

module attributes {stable_mosaic.version = 14 : i64} {
  func.func @_dense_body(%arg0: memref<24x128xf32, #tpu.memory_space<vmem>>, %arg1: memref<24x128xf32, #tpu.memory_space<vmem>>, %arg2: memref<128x4xf32, #tpu.memory_space<vmem>>, %arg3: memref<4xf32, #tpu.memory_space<vmem>>, %arg4: memref<4x4xf32, #tpu.memory_space<vmem>>, %arg5: memref<4xf32, #tpu.memory_space<vmem>>, %arg6: memref<4x8xf32, #tpu.memory_space<vmem>>, %arg7: memref<8xf32, #tpu.memory_space<vmem>>, %arg8: memref<8x8xf32, #tpu.memory_space<vmem>>, %arg9: memref<8xf32, #tpu.memory_space<vmem>>, %arg10: memref<8x16xf32, #tpu.memory_space<vmem>>, %arg11: memref<16xf32, #tpu.memory_space<vmem>>, %arg12: memref<16x16xf32, #tpu.memory_space<vmem>>, %arg13: memref<16xf32, #tpu.memory_space<vmem>>, %arg14: memref<16x32xf32, #tpu.memory_space<vmem>>, %arg15: memref<32xf32, #tpu.memory_space<vmem>>, %arg16: memref<768x128xf32, #tpu.memory_space<vmem>>, %arg17: memref<128xf32, #tpu.memory_space<vmem>>, %arg18: memref<128x2xf32, #tpu.memory_space<vmem>>, %arg19: memref<2xf32, #tpu.memory_space<vmem>>, %arg20: memref<1x2xf32, #tpu.memory_space<vmem>>) attributes {dimension_semantics = [], scalar_prefetch = 0 : i64, scratch_operands = 0 : i64, tpu.core_type = #tpu.core_type<tc>} {
    %get3A = arith.constant 0 : index
    %get3A_0 = arith.constant 0 : index
    %get3A_1 = vector.load %arg0[%get3A, %get3A_0] : memref<24x128xf32, #tpu.memory_space<vmem>>, vector<24x128xf32>
    %slice3A = vector.extract_strided_slice %get3A_1 {offsets = [0, 0], sizes = [24, 24], strides = [1, 1]} : vector<24x128xf32> to vector<24x24xf32>
    %reduce_sum3A = arith.constant dense<0.000000e+00> : vector<24xf32>
    %reduce_sum3A_2 = vector.multi_reduction <add>, %slice3A, %reduce_sum3A [1] : vector<24x24xf32> to vector<24xf32>
    %broadcast_in_dim3A = vector.shape_cast %reduce_sum3A_2 : vector<24xf32> to vector<24x1xf32>
    %add3A = arith.constant 1.000000e+00 : f32
    %add3A_3 = vector.broadcast %add3A : f32 to vector<24x1xf32>
    %add3A_4 = arith.addf %broadcast_in_dim3A, %add3A_3 : vector<24x1xf32>
    %sqrt3A = math.sqrt %add3A_4 : vector<24x1xf32>
    %div3A = arith.constant 1.000000e+00 : f32
    %div3A_5 = vector.broadcast %div3A : f32 to vector<24x1xf32>
    %div3A_6 = arith.divf %div3A_5, %sqrt3A : vector<24x1xf32>
    %iota3A = tpu.iota {dimensions = array<i32: 0>} : vector<24x24xi32>
    %iota3A_7 = tpu.iota {dimensions = array<i32: 1>} : vector<24x24xi32>
    %eq3A = arith.cmpi eq, %iota3A, %iota3A_7 : vector<24x24xi32>
    %convert_element_type3A = arith.extui %eq3A : vector<24x24xi1> to vector<24x24xi32>
    %convert_element_type3A_8 = arith.sitofp %convert_element_type3A : vector<24x24xi32> to vector<24x24xf32>
    %add3A_9 = arith.addf %slice3A, %convert_element_type3A_8 : vector<24x24xf32>
    %get3A_10 = arith.constant 0 : index
    %get3A_11 = arith.constant 0 : index
    %get3A_12 = vector.load %arg1[%get3A_10, %get3A_11] : memref<24x128xf32, #tpu.memory_space<vmem>>, vector<24x128xf32>
    %get3A_13 = arith.constant 0 : index
    %get3A_14 = arith.constant 0 : index
    %get3A_15 = vector.load %arg2[%get3A_13, %get3A_14] : memref<128x4xf32, #tpu.memory_space<vmem>>, vector<128x4xf32>
    %dot_general3A = arith.constant dense<0.000000e+00> : vector<24x4xf32>
    %dot_general3A_16 = tpu.matmul %get3A_12, %get3A_15, %dot_general3A {dimension_numbers = #tpu.dot_dimension_numbers<[1], [0], [0], [1], [0, 0, 1, 1], [], []>, precision = #tpu.contract_precision<fp32>, transpose_lhs_hint = false} : vector<24x128xf32>, vector<128x4xf32>, vector<24x4xf32> -> vector<24x4xf32>
    %mul3A = vector.broadcast %div3A_6 : vector<24x1xf32> to vector<24x4xf32>
    %mul3A_17 = arith.mulf %dot_general3A_16, %mul3A : vector<24x4xf32>
    %dot_general3A_18 = arith.constant dense<0.000000e+00> : vector<24x4xf32>
    %dot_general3A_19 = tpu.matmul %add3A_9, %mul3A_17, %dot_general3A_18 {dimension_numbers = #tpu.dot_dimension_numbers<[1], [0], [0], [1], [0, 0, 1, 1], [], []>, precision = #tpu.contract_precision<fp32>, transpose_lhs_hint = false} : vector<24x24xf32>, vector<24x4xf32>, vector<24x4xf32> -> vector<24x4xf32>
    %mul3A_20 = vector.broadcast %div3A_6 : vector<24x1xf32> to vector<24x4xf32>
    %mul3A_21 = arith.mulf %dot_general3A_19, %mul3A_20 : vector<24x4xf32>
    %get3A_22 = arith.constant 0 : index
    %get3A_23 = vector.load %arg3[%get3A_22] : memref<4xf32, #tpu.memory_space<vmem>>, vector<4xf32>
    %reshape3A = vector.shape_cast %get3A_23 : vector<4xf32> to vector<1x4xf32>
    %add3A_24 = vector.broadcast %reshape3A : vector<1x4xf32> to vector<24x4xf32>
    %add3A_25 = arith.addf %mul3A_21, %add3A_24 : vector<24x4xf32>
    %max3A = arith.constant 0.000000e+00 : f32
    %max3A_26 = vector.broadcast %max3A : f32 to vector<24x4xf32>
    %max3A_27 = arith.maximumf %add3A_25, %max3A_26 : vector<24x4xf32>
    %get3A_28 = arith.constant 0 : index
    %get3A_29 = arith.constant 0 : index
    %get3A_30 = vector.load %arg4[%get3A_28, %get3A_29] : memref<4x4xf32, #tpu.memory_space<vmem>>, vector<4x4xf32>
    %dot_general3A_31 = arith.constant dense<0.000000e+00> : vector<24x4xf32>
    %dot_general3A_32 = tpu.matmul %max3A_27, %get3A_30, %dot_general3A_31 {dimension_numbers = #tpu.dot_dimension_numbers<[1], [0], [0], [1], [0, 0, 1, 1], [], []>, precision = #tpu.contract_precision<fp32>, transpose_lhs_hint = false} : vector<24x4xf32>, vector<4x4xf32>, vector<24x4xf32> -> vector<24x4xf32>
    %mul3A_33 = vector.broadcast %div3A_6 : vector<24x1xf32> to vector<24x4xf32>
    %mul3A_34 = arith.mulf %dot_general3A_32, %mul3A_33 : vector<24x4xf32>
    %dot_general3A_35 = arith.constant dense<0.000000e+00> : vector<24x4xf32>
    %dot_general3A_36 = tpu.matmul %add3A_9, %mul3A_34, %dot_general3A_35 {dimension_numbers = #tpu.dot_dimension_numbers<[1], [0], [0], [1], [0, 0, 1, 1], [], []>, precision = #tpu.contract_precision<fp32>, transpose_lhs_hint = false} : vector<24x24xf32>, vector<24x4xf32>, vector<24x4xf32> -> vector<24x4xf32>
    %mul3A_37 = vector.broadcast %div3A_6 : vector<24x1xf32> to vector<24x4xf32>
    %mul3A_38 = arith.mulf %dot_general3A_36, %mul3A_37 : vector<24x4xf32>
    %get3A_39 = arith.constant 0 : index
    %get3A_40 = vector.load %arg5[%get3A_39] : memref<4xf32, #tpu.memory_space<vmem>>, vector<4xf32>
    %reshape3A_41 = vector.shape_cast %get3A_40 : vector<4xf32> to vector<1x4xf32>
    %add3A_42 = vector.broadcast %reshape3A_41 : vector<1x4xf32> to vector<24x4xf32>
    %add3A_43 = arith.addf %mul3A_38, %add3A_42 : vector<24x4xf32>
    %max3A_44 = arith.constant 0.000000e+00 : f32
    %max3A_45 = vector.broadcast %max3A_44 : f32 to vector<24x4xf32>
    %max3A_46 = arith.maximumf %add3A_43, %max3A_45 : vector<24x4xf32>
    %get3A_47 = arith.constant 0 : index
    %get3A_48 = arith.constant 0 : index
    %get3A_49 = vector.load %arg6[%get3A_47, %get3A_48] : memref<4x8xf32, #tpu.memory_space<vmem>>, vector<4x8xf32>
    %dot_general3A_50 = arith.constant dense<0.000000e+00> : vector<24x8xf32>
    %dot_general3A_51 = tpu.matmul %max3A_46, %get3A_49, %dot_general3A_50 {dimension_numbers = #tpu.dot_dimension_numbers<[1], [0], [0], [1], [0, 0, 1, 1], [], []>, precision = #tpu.contract_precision<fp32>, transpose_lhs_hint = false} : vector<24x4xf32>, vector<4x8xf32>, vector<24x8xf32> -> vector<24x8xf32>
    %mul3A_52 = vector.broadcast %div3A_6 : vector<24x1xf32> to vector<24x8xf32>
    %mul3A_53 = arith.mulf %dot_general3A_51, %mul3A_52 : vector<24x8xf32>
    %dot_general3A_54 = arith.constant dense<0.000000e+00> : vector<24x8xf32>
    %dot_general3A_55 = tpu.matmul %add3A_9, %mul3A_53, %dot_general3A_54 {dimension_numbers = #tpu.dot_dimension_numbers<[1], [0], [0], [1], [0, 0, 1, 1], [], []>, precision = #tpu.contract_precision<fp32>, transpose_lhs_hint = false} : vector<24x24xf32>, vector<24x8xf32>, vector<24x8xf32> -> vector<24x8xf32>
    %mul3A_56 = vector.broadcast %div3A_6 : vector<24x1xf32> to vector<24x8xf32>
    %mul3A_57 = arith.mulf %dot_general3A_55, %mul3A_56 : vector<24x8xf32>
    %get3A_58 = arith.constant 0 : index
    %get3A_59 = vector.load %arg7[%get3A_58] : memref<8xf32, #tpu.memory_space<vmem>>, vector<8xf32>
    %reshape3A_60 = vector.shape_cast %get3A_59 : vector<8xf32> to vector<1x8xf32>
    %add3A_61 = vector.broadcast %reshape3A_60 : vector<1x8xf32> to vector<24x8xf32>
    %add3A_62 = arith.addf %mul3A_57, %add3A_61 : vector<24x8xf32>
    %max3A_63 = arith.constant 0.000000e+00 : f32
    %max3A_64 = vector.broadcast %max3A_63 : f32 to vector<24x8xf32>
    %max3A_65 = arith.maximumf %add3A_62, %max3A_64 : vector<24x8xf32>
    %get3A_66 = arith.constant 0 : index
    %get3A_67 = arith.constant 0 : index
    %get3A_68 = vector.load %arg8[%get3A_66, %get3A_67] : memref<8x8xf32, #tpu.memory_space<vmem>>, vector<8x8xf32>
    %dot_general3A_69 = arith.constant dense<0.000000e+00> : vector<24x8xf32>
    %dot_general3A_70 = tpu.matmul %max3A_65, %get3A_68, %dot_general3A_69 {dimension_numbers = #tpu.dot_dimension_numbers<[1], [0], [0], [1], [0, 0, 1, 1], [], []>, precision = #tpu.contract_precision<fp32>, transpose_lhs_hint = false} : vector<24x8xf32>, vector<8x8xf32>, vector<24x8xf32> -> vector<24x8xf32>
    %mul3A_71 = vector.broadcast %div3A_6 : vector<24x1xf32> to vector<24x8xf32>
    %mul3A_72 = arith.mulf %dot_general3A_70, %mul3A_71 : vector<24x8xf32>
    %dot_general3A_73 = arith.constant dense<0.000000e+00> : vector<24x8xf32>
    %dot_general3A_74 = tpu.matmul %add3A_9, %mul3A_72, %dot_general3A_73 {dimension_numbers = #tpu.dot_dimension_numbers<[1], [0], [0], [1], [0, 0, 1, 1], [], []>, precision = #tpu.contract_precision<fp32>, transpose_lhs_hint = false} : vector<24x24xf32>, vector<24x8xf32>, vector<24x8xf32> -> vector<24x8xf32>
    %mul3A_75 = vector.broadcast %div3A_6 : vector<24x1xf32> to vector<24x8xf32>
    %mul3A_76 = arith.mulf %dot_general3A_74, %mul3A_75 : vector<24x8xf32>
    %get3A_77 = arith.constant 0 : index
    %get3A_78 = vector.load %arg9[%get3A_77] : memref<8xf32, #tpu.memory_space<vmem>>, vector<8xf32>
    %reshape3A_79 = vector.shape_cast %get3A_78 : vector<8xf32> to vector<1x8xf32>
    %add3A_80 = vector.broadcast %reshape3A_79 : vector<1x8xf32> to vector<24x8xf32>
    %add3A_81 = arith.addf %mul3A_76, %add3A_80 : vector<24x8xf32>
    %max3A_82 = arith.constant 0.000000e+00 : f32
    %max3A_83 = vector.broadcast %max3A_82 : f32 to vector<24x8xf32>
    %max3A_84 = arith.maximumf %add3A_81, %max3A_83 : vector<24x8xf32>
    %get3A_85 = arith.constant 0 : index
    %get3A_86 = arith.constant 0 : index
    %get3A_87 = vector.load %arg10[%get3A_85, %get3A_86] : memref<8x16xf32, #tpu.memory_space<vmem>>, vector<8x16xf32>
    %dot_general3A_88 = arith.constant dense<0.000000e+00> : vector<24x16xf32>
    %dot_general3A_89 = tpu.matmul %max3A_84, %get3A_87, %dot_general3A_88 {dimension_numbers = #tpu.dot_dimension_numbers<[1], [0], [0], [1], [0, 0, 1, 1], [], []>, precision = #tpu.contract_precision<fp32>, transpose_lhs_hint = false} : vector<24x8xf32>, vector<8x16xf32>, vector<24x16xf32> -> vector<24x16xf32>
    %mul3A_90 = vector.broadcast %div3A_6 : vector<24x1xf32> to vector<24x16xf32>
    %mul3A_91 = arith.mulf %dot_general3A_89, %mul3A_90 : vector<24x16xf32>
    %dot_general3A_92 = arith.constant dense<0.000000e+00> : vector<24x16xf32>
    %dot_general3A_93 = tpu.matmul %add3A_9, %mul3A_91, %dot_general3A_92 {dimension_numbers = #tpu.dot_dimension_numbers<[1], [0], [0], [1], [0, 0, 1, 1], [], []>, precision = #tpu.contract_precision<fp32>, transpose_lhs_hint = false} : vector<24x24xf32>, vector<24x16xf32>, vector<24x16xf32> -> vector<24x16xf32>
    %mul3A_94 = vector.broadcast %div3A_6 : vector<24x1xf32> to vector<24x16xf32>
    %mul3A_95 = arith.mulf %dot_general3A_93, %mul3A_94 : vector<24x16xf32>
    %get3A_96 = arith.constant 0 : index
    %get3A_97 = vector.load %arg11[%get3A_96] : memref<16xf32, #tpu.memory_space<vmem>>, vector<16xf32>
    %reshape3A_98 = vector.shape_cast %get3A_97 : vector<16xf32> to vector<1x16xf32>
    %add3A_99 = vector.broadcast %reshape3A_98 : vector<1x16xf32> to vector<24x16xf32>
    %add3A_100 = arith.addf %mul3A_95, %add3A_99 : vector<24x16xf32>
    %max3A_101 = arith.constant 0.000000e+00 : f32
    %max3A_102 = vector.broadcast %max3A_101 : f32 to vector<24x16xf32>
    %max3A_103 = arith.maximumf %add3A_100, %max3A_102 : vector<24x16xf32>
    %get3A_104 = arith.constant 0 : index
    %get3A_105 = arith.constant 0 : index
    %get3A_106 = vector.load %arg12[%get3A_104, %get3A_105] : memref<16x16xf32, #tpu.memory_space<vmem>>, vector<16x16xf32>
    %dot_general3A_107 = arith.constant dense<0.000000e+00> : vector<24x16xf32>
    %dot_general3A_108 = tpu.matmul %max3A_103, %get3A_106, %dot_general3A_107 {dimension_numbers = #tpu.dot_dimension_numbers<[1], [0], [0], [1], [0, 0, 1, 1], [], []>, precision = #tpu.contract_precision<fp32>, transpose_lhs_hint = false} : vector<24x16xf32>, vector<16x16xf32>, vector<24x16xf32> -> vector<24x16xf32>
    %mul3A_109 = vector.broadcast %div3A_6 : vector<24x1xf32> to vector<24x16xf32>
    %mul3A_110 = arith.mulf %dot_general3A_108, %mul3A_109 : vector<24x16xf32>
    %dot_general3A_111 = arith.constant dense<0.000000e+00> : vector<24x16xf32>
    %dot_general3A_112 = tpu.matmul %add3A_9, %mul3A_110, %dot_general3A_111 {dimension_numbers = #tpu.dot_dimension_numbers<[1], [0], [0], [1], [0, 0, 1, 1], [], []>, precision = #tpu.contract_precision<fp32>, transpose_lhs_hint = false} : vector<24x24xf32>, vector<24x16xf32>, vector<24x16xf32> -> vector<24x16xf32>
    %mul3A_113 = vector.broadcast %div3A_6 : vector<24x1xf32> to vector<24x16xf32>
    %mul3A_114 = arith.mulf %dot_general3A_112, %mul3A_113 : vector<24x16xf32>
    %get3A_115 = arith.constant 0 : index
    %get3A_116 = vector.load %arg13[%get3A_115] : memref<16xf32, #tpu.memory_space<vmem>>, vector<16xf32>
    %reshape3A_117 = vector.shape_cast %get3A_116 : vector<16xf32> to vector<1x16xf32>
    %add3A_118 = vector.broadcast %reshape3A_117 : vector<1x16xf32> to vector<24x16xf32>
    %add3A_119 = arith.addf %mul3A_114, %add3A_118 : vector<24x16xf32>
    %max3A_120 = arith.constant 0.000000e+00 : f32
    %max3A_121 = vector.broadcast %max3A_120 : f32 to vector<24x16xf32>
    %max3A_122 = arith.maximumf %add3A_119, %max3A_121 : vector<24x16xf32>
    %get3A_123 = arith.constant 0 : index
    %get3A_124 = arith.constant 0 : index
    %get3A_125 = vector.load %arg14[%get3A_123, %get3A_124] : memref<16x32xf32, #tpu.memory_space<vmem>>, vector<16x32xf32>
    %dot_general3A_126 = arith.constant dense<0.000000e+00> : vector<24x32xf32>
    %dot_general3A_127 = tpu.matmul %max3A_122, %get3A_125, %dot_general3A_126 {dimension_numbers = #tpu.dot_dimension_numbers<[1], [0], [0], [1], [0, 0, 1, 1], [], []>, precision = #tpu.contract_precision<fp32>, transpose_lhs_hint = false} : vector<24x16xf32>, vector<16x32xf32>, vector<24x32xf32> -> vector<24x32xf32>
    %mul3A_128 = vector.broadcast %div3A_6 : vector<24x1xf32> to vector<24x32xf32>
    %mul3A_129 = arith.mulf %dot_general3A_127, %mul3A_128 : vector<24x32xf32>
    %dot_general3A_130 = arith.constant dense<0.000000e+00> : vector<24x32xf32>
    %dot_general3A_131 = tpu.matmul %add3A_9, %mul3A_129, %dot_general3A_130 {dimension_numbers = #tpu.dot_dimension_numbers<[1], [0], [0], [1], [0, 0, 1, 1], [], []>, precision = #tpu.contract_precision<fp32>, transpose_lhs_hint = false} : vector<24x24xf32>, vector<24x32xf32>, vector<24x32xf32> -> vector<24x32xf32>
    %mul3A_132 = vector.broadcast %div3A_6 : vector<24x1xf32> to vector<24x32xf32>
    %mul3A_133 = arith.mulf %dot_general3A_131, %mul3A_132 : vector<24x32xf32>
    %get3A_134 = arith.constant 0 : index
    %get3A_135 = vector.load %arg15[%get3A_134] : memref<32xf32, #tpu.memory_space<vmem>>, vector<32xf32>
    %reshape3A_136 = vector.shape_cast %get3A_135 : vector<32xf32> to vector<1x32xf32>
    %add3A_137 = vector.broadcast %reshape3A_136 : vector<1x32xf32> to vector<24x32xf32>
    %add3A_138 = arith.addf %mul3A_133, %add3A_137 : vector<24x32xf32>
    %max3A_139 = arith.constant 0.000000e+00 : f32
    %max3A_140 = vector.broadcast %max3A_139 : f32 to vector<24x32xf32>
    %max3A_141 = arith.maximumf %add3A_138, %max3A_140 : vector<24x32xf32>
    %broadcast_in_dim3A_142 = vector.shape_cast %max3A_141 : vector<24x32xf32> to vector<24x32x1xf32>
    %get3A_143 = arith.constant 0 : index
    %get3A_144 = arith.constant 0 : index
    %get3A_145 = vector.load %arg16[%get3A_143, %get3A_144] : memref<768x128xf32, #tpu.memory_space<vmem>>, vector<768x128xf32>
    %reshape3A_146 = vector.shape_cast %get3A_145 : vector<768x128xf32> to vector<24x32x128xf32>
    %mul3A_147 = vector.broadcast %broadcast_in_dim3A_142 : vector<24x32x1xf32> to vector<24x32x128xf32>
    %mul3A_148 = arith.mulf %mul3A_147, %reshape3A_146 : vector<24x32x128xf32>
    %reduce_sum3A_149 = arith.constant dense<0.000000e+00> : vector<32x128xf32>
    %reduce_sum3A_150 = vector.multi_reduction <add>, %mul3A_148, %reduce_sum3A_149 [0] : vector<24x32x128xf32> to vector<32x128xf32>
    %reduce_sum3A_151 = arith.constant dense<0.000000e+00> : vector<128xf32>
    %reduce_sum3A_152 = vector.multi_reduction <add>, %reduce_sum3A_150, %reduce_sum3A_151 [0] : vector<32x128xf32> to vector<128xf32>
    %broadcast_in_dim3A_153 = vector.shape_cast %reduce_sum3A_152 : vector<128xf32> to vector<1x128xf32>
    %get3A_154 = arith.constant 0 : index
    %get3A_155 = vector.load %arg17[%get3A_154] : memref<128xf32, #tpu.memory_space<vmem>>, vector<128xf32>
    %reshape3A_156 = vector.shape_cast %get3A_155 : vector<128xf32> to vector<1x128xf32>
    %add3A_157 = arith.addf %broadcast_in_dim3A_153, %reshape3A_156 : vector<1x128xf32>
    %get3A_158 = arith.constant 0 : index
    %get3A_159 = arith.constant 0 : index
    %get3A_160 = vector.load %arg18[%get3A_158, %get3A_159] : memref<128x2xf32, #tpu.memory_space<vmem>>, vector<128x2xf32>
    %dot_general3A_161 = arith.constant dense<0.000000e+00> : vector<1x2xf32>
    %dot_general3A_162 = tpu.matmul %add3A_157, %get3A_160, %dot_general3A_161 {dimension_numbers = #tpu.dot_dimension_numbers<[1], [0], [0], [1], [0, 0, 1, 1], [], []>, precision = #tpu.contract_precision<fp32>, transpose_lhs_hint = false} : vector<1x128xf32>, vector<128x2xf32>, vector<1x2xf32> -> vector<1x2xf32>
    %get3A_163 = arith.constant 0 : index
    %get3A_164 = vector.load %arg19[%get3A_163] : memref<2xf32, #tpu.memory_space<vmem>>, vector<2xf32>
    %reshape3A_165 = vector.shape_cast %get3A_164 : vector<2xf32> to vector<1x2xf32>
    %add3A_166 = arith.addf %dot_general3A_162, %reshape3A_165 : vector<1x2xf32>
    %reduce_max3A = arith.constant dense<0xFF800000> : vector<1xf32>
    %reduce_max3A_167 = vector.multi_reduction <maximumf>, %add3A_166, %reduce_max3A [1] : vector<1x2xf32> to vector<1xf32>
    %broadcast_in_dim3A_168 = vector.shape_cast %reduce_max3A_167 : vector<1xf32> to vector<1x1xf32>
    %sub3A = vector.broadcast %broadcast_in_dim3A_168 : vector<1x1xf32> to vector<1x2xf32>
    %sub3A_169 = arith.subf %add3A_166, %sub3A : vector<1x2xf32>
    %exp3A = math.exp %sub3A_169 : vector<1x2xf32>
    %sub3A_170 = vector.broadcast %broadcast_in_dim3A_168 : vector<1x1xf32> to vector<1x2xf32>
    %sub3A_171 = arith.subf %add3A_166, %sub3A_170 : vector<1x2xf32>
    %reduce_sum3A_172 = arith.constant dense<0.000000e+00> : vector<1xf32>
    %reduce_sum3A_173 = vector.multi_reduction <add>, %exp3A, %reduce_sum3A_172 [1] : vector<1x2xf32> to vector<1xf32>
    %broadcast_in_dim3A_174 = vector.shape_cast %reduce_sum3A_173 : vector<1xf32> to vector<1x1xf32>
    %log3A = math.log %broadcast_in_dim3A_174 : vector<1x1xf32>
    %sub3A_175 = vector.broadcast %log3A : vector<1x1xf32> to vector<1x2xf32>
    %sub3A_176 = arith.subf %sub3A_171, %sub3A_175 : vector<1x2xf32>
    %swap3A = arith.constant 0 : index
    %swap3A_177 = arith.constant 0 : index
    %swap3A_178 = vector.load %arg20[%swap3A, %swap3A_177] : memref<1x2xf32, #tpu.memory_space<vmem>>, vector<1x2xf32>
    tpu.vector_store %arg20[%swap3A, %swap3A_177], %sub3A_176 {strides = array<i32>} : memref<1x2xf32, #tpu.memory_space<vmem>>, vector<1x2xf32>,
    return
  }
}

</mosaic_0001>

<sc_bundles>
// kernel: kernel.4.cloned.1.call-start
scs
__scs_entry_jumppad:
0x0: {  	(pc) =	sbr.rel $0x88, $3  }
0x1: {  	(tag) =	ssettag $0x0;
	lr =	simm.s32 $0x1  }
0x2: {  	[smem:$0x3F8D] =	sst lr;
	_ =	strace $0xD0000000  }
0x3: {  	_ = 	snop  }
0x4: {  	_ = 	snop  }
0x5: {  	_ = 	snop  }
0x6: {  	_ = 	snop  }
0x7: {  	_ = 	snop  }
__scs_overlays_trampoline_lowered:
0x8: {  	[smem:$0x3F9C] =	sst s0  }
0x9: {  	[smem:$0x3F9D] =	sst s1  }
0xa: {  	[smem:$0x3F9E] =	sst s2  }
0xb: {  	[smem:$0x3F9F] =	sst s3  }
0xc: {  	[smem:$0x3FA0] =	sst s4  }
0xd: {  	[smem:$0x3FA1] =	sst s5  }
0xe: {  	[smem:$0x3FA2] =	sst s6  }
0xf: {  	[smem:$0x3FA3] =	sst s7  }
0x10: {  	[smem:$0x3FA4] =	sst s8  }
0x11: {  	[smem:$0x3FA5] =	sst s9;
	s0 =	simm.s32 @!p0 $0x0  }
0x12: {  	s1 =	sld [smem:$0x3F8B];
	s0 =	simm.s32 @p0 $0x1  }
0x13: {  	[smem:$0x3FA6] =	sst s0;
	s0 =	simm.s32 @!p1 $0x0  }
0x14: {  	s2 =	sld [smem:$0x3F8A];
	s0 =	simm.s32 @p1 $0x1  }
0x15: {  	[smem:$0x3FA7] =	sst s0;
	s0 =	simm.s32 @!p2 $0x0  }
0x16: {  	s3 =	sld [smem:$0x3FDB];
	s0 =	simm.s32 @p2 $0x1  }
0x17: {  	s4 =	simm.s32 $0x1BF5;
	[smem:$0x3FA9] =	sst s0  }
0x18: {  	s0 =	sld [smem:$0x3F8C];
	_ =	swait.ge [sflag:s4], $0x0  }
0x19: {  	s7 =	sld [smem:$0x3F8D]  }
0x1a: {  	s8 =	sadd.s32 $0xFFFFE003, lr  }
0x1b: {  	s9 =	sadd.s32 $0xFFFFFEF7, lr;
	s5 =	simm.s32 $0xFFFFFFFF;
	p2 =	slt.u32 s8, $0xFFFFF086  }
0x1c: {  	p1 =	slt.u32 s9, $0xF7A;
	s5 =	simm.s32 @!p2 $0x0  }
0x1d: {  	s5 =	simm.s32 @p1 $0x1;
	p0 =	seq.s32 s7, s2  }
0x1e: {  	s7 =	smul.u32 @!p0 $0xF7A, s2;
	p2 =	seq.s32 @!p0 s5, $0x0  }
0x1f: {  	s9 =	smul.u32 $0xF7A, s1;
	s8 =	simm.s32 @!p0 $0x1BF5;
	p2 =	por !p2, p0  }
0x20: {  	[sflag:s8] =	ssyncset.s32 @!p0 $0xFFFFF086;
	s6 =	sadd.s32 @!p0 s3, s7;
	s7 =	simm.s32 @!p0 $0x108  }
0x21: {  	s3 =	sadd.s32 s3, s9;
	s6 =	sadd.s32 @!p0 $0x88, s6;
	s7 =	simm.s32 @p2 $0x1082  }
0x22: {  	[simem:s7], [sflag:s8] =	dma.local @!p0 [hbm:s6], $0xF7A  }
0x23: {  	s9 =	sor.u32 $0xD0000000, s2;
	s6 =	simm.s32 $0x108;
	_ =	swait.ge @!p0 [sflag:s8], $0x0  }
0x24: {  	s3 =	sadd.s32 $0x88, s3;
	s6 =	simm.s32 @!p1 $0x1082;
	[sflag:s4] =	ssyncset.s32 $0xFFFFF086  }
0x25: {  	[simem:s6], [sflag:s4] =	dma.local [hbm:s3], $0xF7A  }
0x26: {  	[smem:$0x3F8D] =	sst s1;
	(tag) =	ssettag s2;
	_ =	strace s9  }
0x27: {  	s1 =	sld [smem:$0x3F9D]  }
0x28: {  	s2 =	sld [smem:$0x3F9E]  }
0x29: {  	s4 =	sld [smem:$0x3FA0]  }
0x2a: {  	p0 =	seq.s32 s5, $0x0;
	s5 =	sld [smem:$0x3FA1]  }
0x2b: {  	s6 =	sld [smem:$0x3FA2]  }
0x2c: {  	s7 =	sld [smem:$0x3FA3]  }
0x2d: {  	s3 =	simm.s32 $0x108;
	s8 =	sld [smem:$0x3FA4]  }
0x2e: {  	s3 =	simm.s32 @!p0 $0x1082;
	s9 =	sld [smem:$0x3FA5]  }
0x2f: {  	lr =	sadd.s32 s0, s3;
	s0 =	sld [smem:$0x3F9C]  }
0x30: {  	s3 =	sld [smem:$0x3F9F]  }
0x31: {  	[smem:$0x3FA8] =	sst s10  }
0x32: {  	s10 =	sld [smem:$0x3FA6];
	_ =	sdelay $0x3  }
0x33: {  	p0 =	seq.s32 s10, $0x1;
	s10 =	sld [smem:$0x3FA8];
	_ =	sdelay $0x3  }
0x34: {  	[smem:$0x3FA8] =	sst s10  }
0x35: {  	s10 =	sld [smem:$0x3FA7];
	_ =	sdelay $0x3  }
0x36: {  	p1 =	seq.s32 s10, $0x1;
	s10 =	sld [smem:$0x3FA8];
	_ =	sdelay $0x3  }
0x37: {  	[smem:$0x3FA8] =	sst s10  }
0x38: {  	s10 =	sld [smem:$0x3FA9]  }
0x39: {  	_ = 	snop;
	(pc) =	sbr.ind lr, $3  }
0x3a: {  	_ = 	snop  }
0x3b: {  	_ = 	snop  }
0x3c: {  	p2 =	seq.s32 s10, $0x1;
	s10 =	sld [smem:$0x3FA8]  }
0x3d: {  	_ =	shalt  }
0x3e: {  	_ =	shalt  }
0x3f: {  	_ =	shalt  }
0x40: {  	_ =	shalt  }
0x41: {  	_ =	shalt  }
0x42: {  	_ =	shalt  }
0x43: {  	_ =	shalt  }
0x44: {  	_ =	shalt  }
0x45: {  	_ =	shalt  }
0x46: {  	_ =	shalt  }
0x47: {  	_ =	shalt  }
0x48: {  	_ =	shalt  }
0x49: {  	_ =	shalt  }
0x4a: {  	_ =	shalt  }
0x4b: {  	_ =	shalt  }
0x4c: {  	_ =	shalt  }
0x4d: {  	_ =	shalt  }
0x4e: {  	_ =	shalt  }
0x4f: {  	_ =	shalt  }
0x50: {  	_ =	shalt  }
0x51: {  	_ =	shalt  }
0x52: {  	_ =	shalt  }
0x53: {  	_ =	shalt  }
0x54: {  	_ =	shalt  }
0x55: {  	_ =	shalt  }
0x56: {  	_ =	shalt  }
0x57: {  	_ =	shalt  }
0x58: {  	_ =	shalt  }
0x59: {  	_ =	shalt  }
0x5a: {  	_ =	shalt  }
0x5b: {  	_ =	shalt  }
0x5c: {  	_ =	shalt  }
0x5d: {  	_ =	shalt  }
0x5e: {  	_ =	shalt  }
0x5f: {  	_ =	shalt  }
0x60: {  	_ =	shalt  }
0x61: {  	_ =	shalt  }
0x62: {  	_ =	shalt  }
0x63: {  	_ =	shalt  }
0x64: {  	_ =	shalt  }
0x65: {  	_ =	shalt  }
0x66: {  	_ =	shalt  }
0x67: {  	_ =	shalt  }
0x68: {  	_ =	shalt  }
0x69: {  	_ =	shalt  }
0x6a: {  	_ =	shalt  }
0x6b: {  	_ =	shalt  }
0x6c: {  	_ =	shalt  }
0x6d: {  	_ =	shalt  }
0x6e: {  	_ =	shalt  }
0x6f: {  	_ =	shalt  }
0x70: {  	_ =	shalt  }
0x71: {  	_ =	shalt  }
0x72: {  	_ =	shalt  }
0x73: {  	_ =	shalt  }
0x74: {  	_ =	shalt  }
0x75: {  	_ =	shalt  }
0x76: {  	_ =	shalt  }
0x77: {  	_ =	shalt  }
0x78: {  	_ =	shalt  }
0x79: {  	_ =	shalt  }
0x7a: {  	_ =	shalt  }
0x7b: {  	_ =	shalt  }
0x7c: {  	_ =	shalt  }
0x7d: {  	_ =	shalt  }
0x7e: {  	_ =	shalt  }
0x7f: {  	_ =	shalt  }
0x80: {  	_ =	shalt  }
0x81: {  	_ =	shalt  }
0x82: {  	_ =	shalt  }
0x83: {  	_ =	shalt  }
0x84: {  	_ =	shalt  }
0x85: {  	_ =	shalt  }
0x86: {  	_ =	shalt  }
0x87: {  	_ =	shalt  }
.Lfunc_end0:
.L_simem_size_0:
called_computation_lowered:
.L_overlay_start_0:
0x88: {  	s0 =	sld [smem:$0x3FD9]  }
0x89: {  	s1 =	sld [smem:$0x3FFE];
	_ =	sdelay $0x3  }
0x8a: {  	s0 =	sadd.s32 s1, s0  }
0x8b: {  	[smem:$0x3FB4] =	sst s0  }
0x8c: {  	_ = 	snop  }
0x8d: {  	s0 =	sld [smem:$0x3FC8];
	(tm) =	ssettm $0x1  }
0x8e: {  	s16 =	sld [smem:$0x3FFB];
	_ =	sdelay $0x3  }
0x8f: {  	_ =	strace s16  }
0x90: {  	s1 =	sld [smem:$0x3FFC];
	_ =	sdelay $0x3  }
0x91: {  	_ =	strace s1  }
0x92: {  	s1 =	sld [smem:$0x3FFD];
	_ =	sdelay $0x3  }
0x93: {  	_ =	strace s1  }
0x94: {  	_ =	strace $0x8FFFFFFF  }
0x95: {  	s17 =	sld [smem:$0x3FDB];
	_ =	sdelay $0x1  }
0x96: {  	s2 =	simm.s32 $_scs_section_size  }
0x97: {  	s3 =	simm.s32 $_size__tile_overlayer_lowered;
	s4 =	simm.s32 $_tile_overlayer_lowered  }
0x98: {  	s20 =	simm.s32 $0x1BFF;
	s19 =	sshll.u32 s4, $0x1;
	s1 =	sadd.s32 s2, s17  }
0x99: {  	s5 =	simm.s32 $0x0;
	s18 =	sshll.u32 s3, $0x1;
	s3 =	sadd.s32 s19, s1  }
0x9a: {  	[timem:s5], [sflag:s20] =	dma.local [hbm:s3], s18  }
0x9b: {  	_ =	swait.ge [sflag:s20], s18  }
0x9c: {  	s2 =	ssub.s32 $0x0, s18;
	[sflag:s20] =	ssyncset.done $0x0  }
0x9d: {  	[sflag:s20] =	ssyncadd.s32 s2;
	_ =	sdelay $0x1  }
0x9e: {  	s21 =	simm.s32 $0x1B8B  }
0x9f: {  	_ =	swait.ge [sflag:s21], $0x1  }
0xa0: {  	[sflag:s21] =	ssyncset.done $0x0  }
0xa1: {  	s23 =	simm.s32 $0x1B8E;
	s22 =	sld [smem:$0x3FFE];
	[sflag:s21] =	ssyncadd.s32 $0xFFFFFFFF  }
0xa2: {  	s24 =	simm.s32 $execute0_lowered;
	[smem:$0x3FD2] =	sst s23  }
0xa3: {  	s3 =	sshll.u32 s24, $0x1;
	_ =	strace $0x80000046;
	[dreg:$0x1] =	wrdreg $0xFFFFFFFF  }
0xa4: {  	s25 =	simm.s32 $_size_execute0_lowered;
	s1 =	sadd.s32 s1, s3;
	[dreg:$0x0] =	wrdreg $0x0  }
0xa5: {  	s3 =	sshll.u32 s25, $0x1;
	[dreg:$0x2] =	wrdreg s1  }
0xa6: {  	[dreg:$0x3] =	wrdreg s3  }
0xa7: {  	[dreg:$0x4] =	wrdreg $0xC0  }
0xa8: {  	_ =	task [dreg:s5], $0x5FFFF  }
0xa9: {  	[dreg:$0x1] =	wrdreg $0xFFFFFFFF  }
0xaa: {  	[dreg:$0x0] =	wrdreg $0x60  }
0xab: {  	[dreg:$0x2] =	wrdreg s0  }
0xac: {  	[dreg:$0x3] =	wrdreg s22  }
0xad: {  	[dreg:$0x4] =	wrdreg $0x9  }
0xae: {  	_ =	task.clear_ibuf [dreg:s5], $0x5FFFF;
	_ =	strace $0x90000046  }
0xaf: {  	s26 =	simm.s32 $0x9;
	_ =	strace $0x80000048  }
0xb0: {  	_ =	swait.ge [sflag:s26], $0x1  }
0xb1: {  	[sflag:s26] =	ssyncadd.s32 $0xFFFFFFFF  }
0xb2: {  	_ =	strace $0x90000048  }
0xb3: {  	_ =	sfence  }
0xb4: {  	s28 =	sld [smem:$0x0];
	_ =	sdelay $0x1  }
0xb5: {  	s29 =	srdreg.scid  }
0xb6: {  	s30 =	sshll.u32 s29, $0xD;
	s31 =	sshrl.u32 s29, $0x2  }
0xb7: {  	s2 =	sand.u32 $0x4000, s30;
	s1 =	sand.u32 $0x1, s29;
	s0 =	sadd.s32 s31, s28  }
0xb8: {  	s1 =	sor.u32 s2, s1;
	s0 =	sshll.u32 s0, $0x11  }
0xb9: {  	s0 =	sor.u32 s0, s1  }
0xba: {  	s0 =	sadd.s32 $0x8F2B, s0  }
0xbb: {  	[sflag:s0] =	ssyncadd.remote.s32 $0x1  }
0xbc: {  	_ =	sfence.sel $0xFFFF  }
0xbd: {  	[dreg:$0x0] =	wrdreg $0xFFFFFFFF;
	(pc) =	sbr.abs _section_cstart, $3  }
0xbe: {  	[dreg:$0x1] =	wrdreg $0xFFFFFFFF  }
0xbf: {  	_ =	task.clear_ibuf [dreg:s5], $0x2FFFF;
	_ =	strace $0x9FFFFFFF  }
0xc0: {  	(tm) =	ssettm $0x7FFFFFFF  }
0xc1: {  	_ =	shalt  }
tec
execute0_lowered:
.L_overlay_start_1:
0x0: {  	(tag) =	ssettag $0x1  }
0x1: {  	s2 =	rddreg [dreg:$0x0]  }
0x2: {  	s1 =	rddreg [dreg:$0x1];
	s3 =	stileid.u32  }
0x3: {  	s0 =	rddreg [dreg:$0x2];
	_ =	strace $0x80000047;
	p0 =	sne.s32 s3, $0x0  }
0x4: {  	_ =	sfence.sel @p0 $0x180000  }
0x5: {  	[bflag:$0x0] =	sbarrier.arrive @p0 $0xFFFF  }
0x6: {  	_ =	strace @p0 $0x90000047  }
0x7: {  	[bflag:$0x2] =	sbarrier.arrive @p0 $0xFFFF  }
0x8: {  	_ =	shalt @p0  }
.LBB2_1:
0x9: {  	s3 =	simm.s32 $0x0  }
0xa: {  	[tilespmem:s3], [sflag:$0x1] =	stream.linear.gather [hbm4b:s2+s3], $0x400, $0x38;
	[tilespmem:$0x3400] =	vst v63  }
0xb: {  	s4 =	sadd.s32 $0x2C00, s1;
	s29 =	simm.s32 $0x1;
	s2 =	simm.s32 $0x400  }
0xc: {  	[tilespmem:s2], [sflag:$0x2] =	stream.linear.gather [hbm4b:s4+s3], $0x2400, $0x38;
	[tilespmem:$0x3400] =	vst v63  }
0xd: {  	_ =	swait.ge [sflag:s29], $0x400  }
0xe: {  	[sflag:s29] =	ssyncset.done $0x0  }
0xf: {  	s30 =	simm.s32 $0x2;
	[sflag:s29] =	ssyncadd.s32 $0xFFFFFC00  }
0x10: {  	_ =	swait.ge [sflag:s30], $0x2400  }
0x11: {  	s5 =	sand.u32 $0x70, s3;
	s3 =	sand.u32 $0x300, s3;
	[sflag:s30] =	ssyncset.done $0x0  }
0x12: {  	s3 =	sor.u32 s5, s3;
	[sflag:s30] =	ssyncadd.s32 $0xFFFFDC00  }
0x13: {  	v0 =	vld [tilespmem:s3+$0x80];
	_ =	sdelay $0x1  }
0x14: {  	v1 =	vld [tilespmem:s3+$0x0];
	_ =	sdelay $0x2  }
0x15: {  	v2 =	vlaneseq.u32;
	v3 =	vmul.u32 $0x18, v0  }
0x16: {  	v0 =	vmul.u32 $0x240, v2  }
0x17: {  	v2 =	vadd.s32 v3, v1  }
0x18: {  	v2 =	vadd.s32 v0, v2;
	_ =	sdelay $0x2  }
0x19: {  	s1 =	sadd.s32 $0x3200, s1;
	s31 =	simm.s32 $0x10;
	s3 =	simm.s32 $0x20  }
0x1a: {  	s4 =	simm.s32 $0x20;
	s5 =	sand.u32 $0x70, s31;
	s6 =	sand.u32 $0x300, s3;
	v1 =	vimm.f32 $1.000000000e+00  }
.LBB2_2:
0x1b: {  	p0 =	sne.s32 s4, $0x1F0;
	s5 =	sor.u32 s5, s6;
	[tilespmem:v2+s2+$0x0] =	vst.idx.add.f32.msk $0xffff, v1  }
0x1c: {  	v2 =	vld [tilespmem:s5+$0x80];
	_ =	sdelay $0x1  }
0x1d: {  	v3 =	vld [tilespmem:s5+$0x0];
	_ =	sdelay $0x2  }
0x1e: {  	v2 =	vmul.u32 $0x18, v2;
	_ =	sdelay $0x1  }
0x1f: {  	v2 =	vadd.s32 v2, v3  }
.Ltmp0:
0x20: {  	v2 =	vadd.s32 v0, v2;
	(pc) =	sbr.rel @p0 .LBB2_2-.Ltmp0, $3  }
0x21: {  	_ =	sdelay $0x1  }
0x22: {  	s3 =	sadd.s32 $0x20, s3  }
0x23: {  	s6 =	sand.u32 $0x300, s3;
	s5 =	sand.u32 $0x70, s4;
	s4 =	sadd.s32 $0x10, s4  }
0x24: {  	_ =	sdelay $0x3  }
0x25: {  	s3 =	sor.u32 s5, s6;
	[tilespmem:v2+s2+$0x0] =	vst.idx.add.f32.msk $0xffff, v1  }
0x26: {  	v2 =	vld [tilespmem:s3+$0x80];
	_ =	sdelay $0x1  }
0x27: {  	v3 =	vld [tilespmem:s3+$0x0];
	_ =	sdelay $0x2  }
0x28: {  	v2 =	vmul.u32 $0x18, v2;
	_ =	sdelay $0x1  }
0x29: {  	v2 =	vadd.s32 v2, v3  }
0x2a: {  	v0 =	vadd.s32 v0, v2;
	_ =	sdelay $0x4  }
0x2b: {  	[tilespmem:v0+s2+$0x0] =	vst.idx.add.f32.msk $0xffff, v1;
	s2 =	simm.s32 $0x1608  }
0x2c: {  	v0 =	vld [tilespmem:s2+$0xFFFFEDF8]  }
0x2d: {  	s31 =	simm.s32 $0x0;
	v1 =	vld [tilespmem:s2+$0xFFFFF038]  }
0x2e: {  	s3 =	sand.u32 $0x3F8, s31  }
0x2f: {  	v2 =	vld [tilespmem:s3+$0x880];
	_ =	sdelay $0x1  }
0x30: {  	v3 =	vld [tilespmem:s2+$0xFFFFF4B8]  }
0x31: {  	v0 =	vadd.f32 v1, v0  }
0x32: {  	v1 =	vld [tilespmem:s3+$0xD00]  }
0x33: {  	v0 =	vadd.f32 v2, v0  }
0x34: {  	v2 =	vld [tilespmem:s2+$0xFFFFF938]  }
0x35: {  	v0 =	vadd.f32 v3, v0  }
0x36: {  	v3 =	vld [tilespmem:s3+$0x1180]  }
0x37: {  	v0 =	vadd.f32 v1, v0  }
0x38: {  	v1 =	vld [tilespmem:s2+$0xFFFFFDB8]  }
0x39: {  	v0 =	vadd.f32 v2, v0  }
0x3a: {  	v2 =	vld [tilespmem:s3+$0x1600]  }
0x3b: {  	v0 =	vadd.f32 v3, v0  }
0x3c: {  	v3 =	vld [tilespmem:s2+$0x238]  }
0x3d: {  	v0 =	vadd.f32 v1, v0  }
0x3e: {  	v1 =	vld [tilespmem:s3+$0x1A80]  }
0x3f: {  	v0 =	vadd.f32 v2, v0  }
0x40: {  	v2 =	vld [tilespmem:s2+$0x6B8]  }
0x41: {  	v0 =	vadd.f32 v3, v0  }
0x42: {  	v3 =	vld [tilespmem:s3+$0x1F00]  }
0x43: {  	v0 =	vadd.f32 v1, v0  }
0x44: {  	v1 =	vld [tilespmem:s2+$0xB38]  }
0x45: {  	v0 =	vadd.f32 v2, v0  }
0x46: {  	v2 =	vld [tilespmem:s3+$0x2380]  }
0x47: {  	v0 =	vadd.f32 v3, v0  }
0x48: {  	v3 =	vld [tilespmem:s2+$0xFB8]  }
0x49: {  	v0 =	vadd.f32 v1, v0;
	_ =	sdelay $0x1  }
0x4a: {  	v0 =	vadd.f32 v2, v0;
	_ =	sdelay $0x1  }
0x4b: {  	v0 =	vadd.f32 v3, v0  }
0x4c: {  	s3 =	simm.s32 $0x2808  }
0x4d: {  	[tilespmem:s3+$0xFFFFFFF8] =	vst v0  }
0x4e: {  	v0 =	vld [tilespmem:s2+$0xFFFFEE00]  }
0x4f: {  	v1 =	vld [tilespmem:s2+$0xFFFFF040];
	_ =	sdelay $0x1  }
0x50: {  	v2 =	vld [tilespmem:s2+$0xFFFFF280];
	_ =	sdelay $0x1  }
0x51: {  	v3 =	vld [tilespmem:s2+$0xFFFFF4C0]  }
0x52: {  	v0 =	vadd.f32 v1, v0  }
0x53: {  	v1 =	vld [tilespmem:s2+$0xFFFFF700]  }
0x54: {  	v0 =	vadd.f32 v2, v0  }
0x55: {  	v2 =	vld [tilespmem:s2+$0xFFFFF940]  }
0x56: {  	v0 =	vadd.f32 v3, v0  }
0x57: {  	v3 =	vld [tilespmem:s2+$0xFFFFFB80]  }
0x58: {  	v0 =	vadd.f32 v1, v0  }
0x59: {  	v1 =	vld [tilespmem:s2+$0xFFFFFDC0]  }
0x5a: {  	v0 =	vadd.f32 v2, v0  }
0x5b: {  	v2 =	vld [tilespmem:s2+$0x0]  }
0x5c: {  	v0 =	vadd.f32 v3, v0  }
0x5d: {  	v3 =	vld [tilespmem:s2+$0x240]  }
0x5e: {  	v0 =	vadd.f32 v1, v0  }
0x5f: {  	v1 =	vld [tilespmem:s2+$0x480]  }
0x60: {  	v0 =	vadd.f32 v2, v0  }
0x61: {  	v2 =	vld [tilespmem:s2+$0x6C0]  }
0x62: {  	v0 =	vadd.f32 v3, v0  }
0x63: {  	v3 =	vld [tilespmem:s2+$0x900]  }
0x64: {  	v0 =	vadd.f32 v1, v0  }
0x65: {  	v1 =	vld [tilespmem:s2+$0xB40]  }
0x66: {  	v0 =	vadd.f32 v2, v0  }
0x67: {  	v2 =	vld [tilespmem:s2+$0xD80]  }
0x68: {  	v0 =	vadd.f32 v3, v0  }
0x69: {  	v3 =	vld [tilespmem:s2+$0xFC0]  }
0x6a: {  	v0 =	vadd.f32 v1, v0;
	_ =	sdelay $0x1  }
0x6b: {  	v0 =	vadd.f32 v2, v0;
	_ =	sdelay $0x1  }
0x6c: {  	s4 =	simm.s32 $0x18;
	s5 =	simm.s32 $0x2808;
	v0 =	vadd.f32 v3, v0  }
.LBB2_4:
0x6d: {  	p0 =	sne.s32 s4, $0x228;
	s2 =	sadd.s32 $0x18, s2;
	s3 =	sadd.s32 $0x80, s3  }
0x6e: {  	s6 =	smov.u32 s4;
	s4 =	sadd.s32 $0x18, s4;
	[tilespmem:s5+$0x0] =	vst v0;
	s5 =	smov.u32 s3  }
0x6f: {  	v0 =	vld [tilespmem:s2+$0xFFFFEDF8]  }
0x70: {  	v1 =	vld [tilespmem:s2+$0xFFFFF038]  }
0x71: {  	s6 =	sand.u32 $0x3F8, s6  }
0x72: {  	v2 =	vld [tilespmem:s6+$0x880];
	_ =	sdelay $0x1  }
0x73: {  	v3 =	vld [tilespmem:s2+$0xFFFFF4B8]  }
0x74: {  	v0 =	vadd.f32 v1, v0  }
0x75: {  	v1 =	vld [tilespmem:s6+$0xD00]  }
0x76: {  	v0 =	vadd.f32 v2, v0  }
0x77: {  	v2 =	vld [tilespmem:s2+$0xFFFFF938]  }
0x78: {  	v0 =	vadd.f32 v3, v0  }
0x79: {  	v3 =	vld [tilespmem:s6+$0x1180]  }
0x7a: {  	v0 =	vadd.f32 v1, v0  }
0x7b: {  	v1 =	vld [tilespmem:s2+$0xFFFFFDB8]  }
0x7c: {  	v0 =	vadd.f32 v2, v0  }
0x7d: {  	v2 =	vld [tilespmem:s6+$0x1600]  }
0x7e: {  	v0 =	vadd.f32 v3, v0  }
0x7f: {  	v3 =	vld [tilespmem:s2+$0x238]  }
0x80: {  	v0 =	vadd.f32 v1, v0  }
0x81: {  	v1 =	vld [tilespmem:s6+$0x1A80]  }
0x82: {  	v0 =	vadd.f32 v2, v0  }
0x83: {  	v2 =	vld [tilespmem:s2+$0x6B8]  }
0x84: {  	v0 =	vadd.f32 v3, v0  }
0x85: {  	v3 =	vld [tilespmem:s6+$0x1F00]  }
0x86: {  	v0 =	vadd.f32 v1, v0  }
0x87: {  	v1 =	vld [tilespmem:s2+$0xB38]  }
0x88: {  	v0 =	vadd.f32 v2, v0  }
0x89: {  	v2 =	vld [tilespmem:s6+$0x2380]  }
0x8a: {  	v0 =	vadd.f32 v3, v0  }
0x8b: {  	v3 =	vld [tilespmem:s2+$0xFB8]  }
0x8c: {  	v0 =	vadd.f32 v1, v0;
	_ =	sdelay $0x1  }
0x8d: {  	v0 =	vadd.f32 v2, v0;
	_ =	sdelay $0x1  }
0x8e: {  	v0 =	vadd.f32 v3, v0;
	_ =	sdelay $0x1  }
0x8f: {  	[tilespmem:s3+$0xFFFFFFF8] =	vst v0  }
0x90: {  	v0 =	vld [tilespmem:s2+$0xFFFFEE00]  }
0x91: {  	v1 =	vld [tilespmem:s2+$0xFFFFF040]  }
0x92: {  	v2 =	vld [tilespmem:s2+$0xFFFFF280];
	_ =	sdelay $0x1  }
0x93: {  	v3 =	vld [tilespmem:s2+$0xFFFFF4C0];
	_ =	sdelay $0x1  }
0x94: {  	v0 =	vadd.f32 v1, v0;
	v1 =	vld [tilespmem:s2+$0xFFFFF700];
	_ =	sdelay $0x1  }
0x95: {  	v0 =	vadd.f32 v2, v0;
	v2 =	vld [tilespmem:s2+$0xFFFFF940];
	_ =	sdelay $0x1  }
0x96: {  	v0 =	vadd.f32 v3, v0;
	v3 =	vld [tilespmem:s2+$0xFFFFFB80];
	_ =	sdelay $0x1  }
0x97: {  	v0 =	vadd.f32 v1, v0;
	v1 =	vld [tilespmem:s2+$0xFFFFFDC0];
	_ =	sdelay $0x1  }
0x98: {  	v0 =	vadd.f32 v2, v0;
	v2 =	vld [tilespmem:s2+$0x0];
	_ =	sdelay $0x1  }
0x99: {  	v0 =	vadd.f32 v3, v0;
	v3 =	vld [tilespmem:s2+$0x240];
	_ =	sdelay $0x1  }
0x9a: {  	v0 =	vadd.f32 v1, v0;
	v1 =	vld [tilespmem:s2+$0x480];
	_ =	sdelay $0x1  }
0x9b: {  	v0 =	vadd.f32 v2, v0;
	v2 =	vld [tilespmem:s2+$0x6C0];
	_ =	sdelay $0x1  }
0x9c: {  	v0 =	vadd.f32 v3, v0;
	v3 =	vld [tilespmem:s2+$0x900];
	_ =	sdelay $0x1  }
0x9d: {  	v0 =	vadd.f32 v1, v0;
	v1 =	vld [tilespmem:s2+$0xB40];
	_ =	sdelay $0x1  }
0x9e: {  	v0 =	vadd.f32 v2, v0;
	v2 =	vld [tilespmem:s2+$0xD80];
	_ =	sdelay $0x1  }
0x9f: {  	v0 =	vadd.f32 v3, v0;
	v3 =	vld [tilespmem:s2+$0xFC0];
	_ =	sdelay $0x1  }
.Ltmp1:
0xa0: {  	v0 =	vadd.f32 v1, v0;
	(pc) =	sbr.rel @p0 .LBB2_4-.Ltmp1, $3  }
0xa1: {  	_ = 	snop  }
0xa2: {  	v0 =	vadd.f32 v2, v0;
	_ =	sdelay $0x1  }
0xa3: {  	v0 =	vadd.f32 v3, v0  }
0xa4: {  	_ = 	snop  }
0xa5: {  	s2 =	simm.s32 $0x0;
	s3 =	simm.s32 $0x2800;
	s31 =	simm.s32 $0x3;
	[tilespmem:s5+$0x0] =	vst v0  }
0xa6: {  	[hbm4b:s1+s2] =	stream.linear.scatter [tilespmem:s3], [sflag:$0x3], $0xC00, $0x38;
	[tilespmem:$0x3400] =	vst v63  }
0xa7: {  	_ =	swait.ge [sflag:s31], $0xC00  }
0xa8: {  	[sflag:s31] =	ssyncset.done $0x0  }
0xa9: {  	[sflag:s31] =	ssyncadd.s32 $0xFFFFF400  }
0xaa: {  	_ =	sfence.sel $0x180000  }
0xab: {  	[bflag:$0x0] =	sbarrier.arrive $0xFFFF  }
0xac: {  	_ =	strace $0x90000047  }
0xad: {  	s0 =	sadd.s32 $0x100000, s0;
	[bflag:$0x2] =	sbarrier.arrive $0xFFFF  }
0xae: {  	[sflag:s0] =	ssyncadd.tile.s32 $0x1;
	_ =	shalt  }
.Lfunc_end2:
_tile_overlayer_lowered:
.L_overlay_start_2:
0xaf: {  	(tag) =	ssettag $0x2  }
0xb0: {  	s0 =	rddreg [dreg:$0x0];
	s2 =	stileid.u32  }
0xb1: {  	s1 =	rddreg [dreg:$0x1];
	p0 =	sne.s32 s2, $0x0  }
0xb2: {  	s3 =	rddreg [dreg:$0x2];
	[bflag:$0x3] =	sbarrier.arrive $0xFFFF;
	s2 =	simm.s32 @!p0 $0x1C03  }
0xb3: {  	[timem:s3], [sflag:s2] =	dma.local @!p0 [hbm:s0], s1  }
0xb4: {  	s0 =	simm.s32 @!p0 $0x3  }
0xb5: {  	_ =	swait.ge @!p0 [sflag:s0], s1  }
0xb6: {  	s1 =	ssub.s32 @!p0 $0x0, s1;
	[sflag:s0] =	ssyncset.done @!p0 $0x0  }
0xb7: {  	[sflag:s0] =	ssyncadd.s32 @!p0 s1  }
0xb8: {  	[bflag:$0x3] =	sbarrier.arrive $0xFFFF  }
0xb9: {  	_ =	shalt  }

</sc_bundles>
